<compile_context>
chip_gen: v7x
topology: tpu7x:2x2x1
jax: 0.10.2.dev20260603
libtpu: 0.0.44.dev20260713+nightly
codegen_flags: <defaults>
</compile_context>

<pallas_src>
import functools

import jax
import jax.numpy as jnp
from jax import lax
from jax.experimental import pallas as pl
from jax.experimental.pallas import tpu as pltpu
from jax.experimental.pallas import tpu_sc as plsc

_B, _S, _D = 4, 8192, 1024
_NW = 32
_SEQ_PER_W = _S // _NW
_CHUNK_ROWS = 16
_NPC = _SEQ_PER_W // _CHUNK_ROWS
_NCH = _NPC * _B

_mesh = plsc.VectorSubcoreMesh(core_axis_name="c", subcore_axis_name="s")


@functools.partial(
    pl.kernel,
    mesh=_mesh,
    out_type=jax.ShapeDtypeStruct((_B, _S, _D), jnp.float32),
    scratch_types=[
        pltpu.VMEM((3, _CHUNK_ROWS, _D), jnp.float32),
        pltpu.VMEM((2, _CHUNK_ROWS, _D), jnp.float32),
        pltpu.SemaphoreType.DMA((3,)),
        pltpu.SemaphoreType.DMA((2,)),
        pltpu.SemaphoreType.DMA((3,)),
    ],
)
def _sc_add(x_hbm, pos_hbm, out_hbm, x_v, p_v, xsem, psem, osem):
    wid = lax.axis_index("s") * 2 + lax.axis_index("c")
    seq0 = wid * _SEQ_PER_W

    def x_slice(c):
        return x_hbm.at[lax.rem(c, _B),
                        pl.ds(seq0 + (c // _B) * _CHUNK_ROWS, _CHUNK_ROWS)]

    def o_slice(c):
        return out_hbm.at[lax.rem(c, _B),
                          pl.ds(seq0 + (c // _B) * _CHUNK_ROWS, _CHUNK_ROWS)]

    def p_slice(pc):
        return pos_hbm.at[pl.ds(seq0 + pc * _CHUNK_ROWS, _CHUNK_ROWS)]

    def start_in(c, k):
        pltpu.make_async_copy(x_slice(c), x_v.at[k], xsem.at[k]).start()

    def wait_in(c, k):
        pltpu.make_async_copy(x_slice(c), x_v.at[k], xsem.at[k]).wait()

    def start_p(pc, kp):
        pltpu.make_async_copy(p_slice(pc), p_v.at[kp], psem.at[kp]).start()

    def wait_p(pc, kp):
        pltpu.make_async_copy(p_slice(pc), p_v.at[kp], psem.at[kp]).wait()

    def start_out(c, k):
        pltpu.make_async_copy(x_v.at[k], o_slice(c), osem.at[k]).start()

    def wait_out(c, k):
        pltpu.make_async_copy(x_v.at[k], o_slice(c), osem.at[k]).wait()

    start_in(0, 0)
    start_in(1, 1)
    start_p(0, 0)
    start_p(1, 1)

    def body(g, carry):
        k = lax.rem(g, 3)
        b = lax.rem(g, _B)
        pc = g // _B
        kp = lax.rem(pc, 2)

        @pl.when(b == 0)
        def _():
            wait_p(pc, kp)

            @pl.when(jnp.logical_and(pc >= 1, pc + 1 < _NPC))
            def _():
                start_p(pc + 1, lax.rem(pc + 1, 2))

        wait_in(g, k)

        @plsc.parallel_loop(0, _CHUNK_ROWS * _D, 16, unroll=8)
        def _(i):
            r = lax.shift_right_logical(i, 10)
            s = pl.ds(pl.multiple_of(lax.bitwise_and(i, _D - 1), 16), 16)
            x_v[k, r, s] = x_v[k, r, s] + p_v[kp, r, s]

        start_out(g, k)

        @pl.when(g + 2 < _NCH)
        def _():
            @pl.when(g >= 1)
            def _():
                wait_out(g - 1, lax.rem(g + 2, 3))

            start_in(g + 2, lax.rem(g + 2, 3))

        return carry

    lax.fori_loop(0, _NCH, body, 0)
    for c in (_NCH - 3, _NCH - 2, _NCH - 1):
        wait_out(c, c % 3)


def kernel(x, pos_table):
    return _sc_add(x, pos_table)

# --- scband reference (transcript-rebuilt; emitter-appended) ---
"""Pipeline reference for scband-positional-embedding-18640158065194 (READ-ONLY COPY).

The authoritative reference and input builder live on the scoring server;
editing this copy changes nothing except your own understanding.
"""

import jax, jax.numpy as jnp
import numpy as np

N_EMBD = 1024
MAX_LEN = 8192
BATCH = 4
SEQ = 8192

def setup_inputs(seed: int = 0) -> dict:
    key = jax.random.key(seed)
    k1, k2 = jax.random.split(key)
    x = jax.random.normal(k1, (BATCH, SEQ, N_EMBD), dtype=jnp.float32)
    pos_table = jax.random.normal(k2, (MAX_LEN, N_EMBD), dtype=jnp.float32) * 0.02
    return {"x": x, "pos_table": pos_table}

def reference(x, pos_table):
    seq_len = x.shape[1]
    pos = jnp.arange(seq_len).reshape(1, seq_len)
    embedding = jnp.take(pos_table, pos, axis=0)  # [1, S, n_embd]
    return x + embedding

if __name__ == "__main__":
    import jax
    _d = setup_inputs()
    print(jax.jit(kernel)(*tuple(_d.values())))

</pallas_src>

<mosaic_0001>
#map = affine_map<(d0, d1) -> (0, 0, 0)>
#map1 = affine_map<(d0, d1) -> (0, 0)>
module attributes {stable_mosaic.version = 14 : i64} {
  func.func @_sc_add(%arg0: i32, %arg1: i32, %arg2: memref<4x8192x1024xf32, #tpu.memory_space<hbm>>, %arg3: memref<8192x1024xf32, #tpu.memory_space<hbm>>, %arg4: memref<4x8192x1024xf32, #tpu.memory_space<hbm>>, %arg5: memref<3x16x1024xf32, #tpu.memory_space<vmem>>, %arg6: memref<2x16x1024xf32, #tpu.memory_space<vmem>>, %arg7: memref<3x!tpu.dma_semaphore, #tpu.memory_space<semaphore_mem>>, %arg8: memref<2x!tpu.dma_semaphore, #tpu.memory_space<semaphore_mem>>, %arg9: memref<3x!tpu.dma_semaphore, #tpu.memory_space<semaphore_mem>>) attributes {dimension_semantics = [#tpu.dimension_semantics<core_parallel>, #tpu.dimension_semantics<subcore_parallel>], iteration_bounds = array<i64: 2, 16>, scalar_prefetch = 0 : i64, scratch_operands = 5 : i64, tpu.core_type = #tpu.core_type<sc_vector_subcore>, window_params = [{transform_indices = #map}, {transform_indices = #map1}, {transform_indices = #map}]} {
    %mul3A = arith.constant 2 : i32
    %mul3A_0 = arith.muli %arg1, %mul3A : i32
    %add3A = arith.addi %mul3A_0, %arg0 : i32
    %mul3A_1 = arith.constant 256 : i32
    %mul3A_2 = arith.muli %add3A, %mul3A_1 : i32
    %rem3A = arith.constant 0 : i32
    %rem3A_3 = arith.constant 4 : i32
    %rem3A_4 = arith.remsi %rem3A, %rem3A_3 : i32
    %add3A_5 = arith.constant 0 : i32
    %add3A_6 = arith.addi %mul3A_2, %add3A_5 : i32
    %dma_start3A = arith.constant 0 : i32
    %dma_start3A_7 = arith.constant 0 : i32
    %dma_start3A_8 = arith.constant 0 : i32
    %dma_start3A_9 = arith.constant 0 : i32
    %dma_start3A_10 = tpu.memref_slice %arg5[%dma_start3A, %dma_start3A_8, %dma_start3A_9] : memref<3x16x1024xf32, #tpu.memory_space<vmem>> -> memref<1x16x1024xf32, #tpu.memory_space<vmem>>
    %dma_start3A_11 = tpu.memref_squeeze %dma_start3A_10 : memref<1x16x1024xf32, #tpu.memory_space<vmem>> -> memref<16x1024xf32, #tpu.memory_space<vmem>>
    %dma_start3A_12 = arith.constant 0 : i32
    %dma_start3A_13 = tpu.memref_slice %arg2[%rem3A_4, %add3A_6, %dma_start3A_12] : memref<4x8192x1024xf32, #tpu.memory_space<hbm>> -> memref<1x16x1024xf32, #tpu.memory_space<hbm>>
    %dma_start3A_14 = tpu.memref_squeeze %dma_start3A_13 : memref<1x16x1024xf32, #tpu.memory_space<hbm>> -> memref<16x1024xf32, #tpu.memory_space<hbm>>
    %dma_start3A_15 = tpu.memref_slice %arg7[%dma_start3A_7] : memref<3x!tpu.dma_semaphore, #tpu.memory_space<semaphore_mem>> -> memref<1x!tpu.dma_semaphore, #tpu.memory_space<semaphore_mem>>
    %dma_start3A_16 = tpu.memref_squeeze %dma_start3A_15 : memref<1x!tpu.dma_semaphore, #tpu.memory_space<semaphore_mem>> -> memref<!tpu.dma_semaphore, #tpu.memory_space<semaphore_mem>>
    %dma_start3A_17 = arith.constant 0 : i32
    %dma_start3A_18 = arith.constant 0 : i32
    %dma_start3A_19 = tpu.memref_slice %arg5[%dma_start3A, %dma_start3A_17, %dma_start3A_18] : memref<3x16x1024xf32, #tpu.memory_space<vmem>> -> memref<1x16x1024xf32, #tpu.memory_space<vmem>>
    %dma_start3A_20 = tpu.memref_squeeze %dma_start3A_19 : memref<1x16x1024xf32, #tpu.memory_space<vmem>> -> memref<16x1024xf32, #tpu.memory_space<vmem>>
    %dma_start3A_21 = arith.constant 0 : i32
    %dma_start3A_22 = tpu.memref_slice %arg2[%rem3A_4, %add3A_6, %dma_start3A_21] : memref<4x8192x1024xf32, #tpu.memory_space<hbm>> -> memref<1x16x1024xf32, #tpu.memory_space<hbm>>
    %dma_start3A_23 = tpu.memref_squeeze %dma_start3A_22 : memref<1x16x1024xf32, #tpu.memory_space<hbm>> -> memref<16x1024xf32, #tpu.memory_space<hbm>>
    tpu.enqueue_dma source(%dma_start3A_23 : memref<16x1024xf32, #tpu.memory_space<hbm>>) target(%dma_start3A_20 : memref<16x1024xf32, #tpu.memory_space<vmem>>) target_semaphore(%dma_start3A_16 : memref<!tpu.dma_semaphore, #tpu.memory_space<semaphore_mem>>)
    %rem3A_24 = arith.constant 1 : i32
    %rem3A_25 = arith.constant 4 : i32
    %rem3A_26 = arith.remsi %rem3A_24, %rem3A_25 : i32
    %add3A_27 = arith.constant 0 : i32
    %add3A_28 = arith.addi %mul3A_2, %add3A_27 : i32
    %dma_start3A_29 = arith.constant 1 : i32
    %dma_start3A_30 = arith.constant 1 : i32
    %dma_start3A_31 = arith.constant 0 : i32
    %dma_start3A_32 = arith.constant 0 : i32
    %dma_start3A_33 = tpu.memref_slice %arg5[%dma_start3A_29, %dma_start3A_31, %dma_start3A_32] : memref<3x16x1024xf32, #tpu.memory_space<vmem>> -> memref<1x16x1024xf32, #tpu.memory_space<vmem>>
    %dma_start3A_34 = tpu.memref_squeeze %dma_start3A_33 : memref<1x16x1024xf32, #tpu.memory_space<vmem>> -> memref<16x1024xf32, #tpu.memory_space<vmem>>
    %dma_start3A_35 = arith.constant 0 : i32
    %dma_start3A_36 = tpu.memref_slice %arg2[%rem3A_26, %add3A_28, %dma_start3A_35] : memref<4x8192x1024xf32, #tpu.memory_space<hbm>> -> memref<1x16x1024xf32, #tpu.memory_space<hbm>>
    %dma_start3A_37 = tpu.memref_squeeze %dma_start3A_36 : memref<1x16x1024xf32, #tpu.memory_space<hbm>> -> memref<16x1024xf32, #tpu.memory_space<hbm>>
    %dma_start3A_38 = tpu.memref_slice %arg7[%dma_start3A_30] : memref<3x!tpu.dma_semaphore, #tpu.memory_space<semaphore_mem>> -> memref<1x!tpu.dma_semaphore, #tpu.memory_space<semaphore_mem>>
    %dma_start3A_39 = tpu.memref_squeeze %dma_start3A_38 : memref<1x!tpu.dma_semaphore, #tpu.memory_space<semaphore_mem>> -> memref<!tpu.dma_semaphore, #tpu.memory_space<semaphore_mem>>
    %dma_start3A_40 = arith.constant 0 : i32
    %dma_start3A_41 = arith.constant 0 : i32
    %dma_start3A_42 = tpu.memref_slice %arg5[%dma_start3A_29, %dma_start3A_40, %dma_start3A_41] : memref<3x16x1024xf32, #tpu.memory_space<vmem>> -> memref<1x16x1024xf32, #tpu.memory_space<vmem>>
    %dma_start3A_43 = tpu.memref_squeeze %dma_start3A_42 : memref<1x16x1024xf32, #tpu.memory_space<vmem>> -> memref<16x1024xf32, #tpu.memory_space<vmem>>
    %dma_start3A_44 = arith.constant 0 : i32
    %dma_start3A_45 = tpu.memref_slice %arg2[%rem3A_26, %add3A_28, %dma_start3A_44] : memref<4x8192x1024xf32, #tpu.memory_space<hbm>> -> memref<1x16x1024xf32, #tpu.memory_space<hbm>>
    %dma_start3A_46 = tpu.memref_squeeze %dma_start3A_45 : memref<1x16x1024xf32, #tpu.memory_space<hbm>> -> memref<16x1024xf32, #tpu.memory_space<hbm>>
    tpu.enqueue_dma source(%dma_start3A_46 : memref<16x1024xf32, #tpu.memory_space<hbm>>) target(%dma_start3A_43 : memref<16x1024xf32, #tpu.memory_space<vmem>>) target_semaphore(%dma_start3A_39 : memref<!tpu.dma_semaphore, #tpu.memory_space<semaphore_mem>>)
    %add3A_47 = arith.constant 0 : i32
    %add3A_48 = arith.addi %mul3A_2, %add3A_47 : i32
    %dma_start3A_49 = arith.constant 0 : i32
    %dma_start3A_50 = arith.constant 0 : i32
    %dma_start3A_51 = arith.constant 0 : i32
    %dma_start3A_52 = arith.constant 0 : i32
    %dma_start3A_53 = tpu.memref_slice %arg6[%dma_start3A_49, %dma_start3A_51, %dma_start3A_52] : memref<2x16x1024xf32, #tpu.memory_space<vmem>> -> memref<1x16x1024xf32, #tpu.memory_space<vmem>>
    %dma_start3A_54 = tpu.memref_squeeze %dma_start3A_53 : memref<1x16x1024xf32, #tpu.memory_space<vmem>> -> memref<16x1024xf32, #tpu.memory_space<vmem>>
    %dma_start3A_55 = arith.constant 0 : i32
    %dma_start3A_56 = tpu.memref_slice %arg3[%add3A_48, %dma_start3A_55] : memref<8192x1024xf32, #tpu.memory_space<hbm>> -> memref<16x1024xf32, #tpu.memory_space<hbm>>
    %dma_start3A_57 = tpu.memref_slice %arg8[%dma_start3A_50] : memref<2x!tpu.dma_semaphore, #tpu.memory_space<semaphore_mem>> -> memref<1x!tpu.dma_semaphore, #tpu.memory_space<semaphore_mem>>
    %dma_start3A_58 = tpu.memref_squeeze %dma_start3A_57 : memref<1x!tpu.dma_semaphore, #tpu.memory_space<semaphore_mem>> -> memref<!tpu.dma_semaphore, #tpu.memory_space<semaphore_mem>>
    %dma_start3A_59 = arith.constant 0 : i32
    %dma_start3A_60 = arith.constant 0 : i32
    %dma_start3A_61 = tpu.memref_slice %arg6[%dma_start3A_49, %dma_start3A_59, %dma_start3A_60] : memref<2x16x1024xf32, #tpu.memory_space<vmem>> -> memref<1x16x1024xf32, #tpu.memory_space<vmem>>
    %dma_start3A_62 = tpu.memref_squeeze %dma_start3A_61 : memref<1x16x1024xf32, #tpu.memory_space<vmem>> -> memref<16x1024xf32, #tpu.memory_space<vmem>>
    %dma_start3A_63 = arith.constant 0 : i32
    %dma_start3A_64 = tpu.memref_slice %arg3[%add3A_48, %dma_start3A_63] : memref<8192x1024xf32, #tpu.memory_space<hbm>> -> memref<16x1024xf32, #tpu.memory_space<hbm>>
    tpu.enqueue_dma source(%dma_start3A_64 : memref<16x1024xf32, #tpu.memory_space<hbm>>) target(%dma_start3A_62 : memref<16x1024xf32, #tpu.memory_space<vmem>>) target_semaphore(%dma_start3A_58 : memref<!tpu.dma_semaphore, #tpu.memory_space<semaphore_mem>>)
    %add3A_65 = arith.constant 16 : i32
    %add3A_66 = arith.addi %mul3A_2, %add3A_65 : i32
    %dma_start3A_67 = arith.constant 1 : i32
    %dma_start3A_68 = arith.constant 1 : i32
    %dma_start3A_69 = arith.constant 0 : i32
    %dma_start3A_70 = arith.constant 0 : i32
    %dma_start3A_71 = tpu.memref_slice %arg6[%dma_start3A_67, %dma_start3A_69, %dma_start3A_70] : memref<2x16x1024xf32, #tpu.memory_space<vmem>> -> memref<1x16x1024xf32, #tpu.memory_space<vmem>>
    %dma_start3A_72 = tpu.memref_squeeze %dma_start3A_71 : memref<1x16x1024xf32, #tpu.memory_space<vmem>> -> memref<16x1024xf32, #tpu.memory_space<vmem>>
    %dma_start3A_73 = arith.constant 0 : i32
    %dma_start3A_74 = tpu.memref_slice %arg3[%add3A_66, %dma_start3A_73] : memref<8192x1024xf32, #tpu.memory_space<hbm>> -> memref<16x1024xf32, #tpu.memory_space<hbm>>
    %dma_start3A_75 = tpu.memref_slice %arg8[%dma_start3A_68] : memref<2x!tpu.dma_semaphore, #tpu.memory_space<semaphore_mem>> -> memref<1x!tpu.dma_semaphore, #tpu.memory_space<semaphore_mem>>
    %dma_start3A_76 = tpu.memref_squeeze %dma_start3A_75 : memref<1x!tpu.dma_semaphore, #tpu.memory_space<semaphore_mem>> -> memref<!tpu.dma_semaphore, #tpu.memory_space<semaphore_mem>>
    %dma_start3A_77 = arith.constant 0 : i32
    %dma_start3A_78 = arith.constant 0 : i32
    %dma_start3A_79 = tpu.memref_slice %arg6[%dma_start3A_67, %dma_start3A_77, %dma_start3A_78] : memref<2x16x1024xf32, #tpu.memory_space<vmem>> -> memref<1x16x1024xf32, #tpu.memory_space<vmem>>
    %dma_start3A_80 = tpu.memref_squeeze %dma_start3A_79 : memref<1x16x1024xf32, #tpu.memory_space<vmem>> -> memref<16x1024xf32, #tpu.memory_space<vmem>>
    %dma_start3A_81 = arith.constant 0 : i32
    %dma_start3A_82 = tpu.memref_slice %arg3[%add3A_66, %dma_start3A_81] : memref<8192x1024xf32, #tpu.memory_space<hbm>> -> memref<16x1024xf32, #tpu.memory_space<hbm>>
    tpu.enqueue_dma source(%dma_start3A_82 : memref<16x1024xf32, #tpu.memory_space<hbm>>) target(%dma_start3A_80 : memref<16x1024xf32, #tpu.memory_space<vmem>>) target_semaphore(%dma_start3A_76 : memref<!tpu.dma_semaphore, #tpu.memory_space<semaphore_mem>>)
    %scan3A = arith.constant 0 : i32
    %scan3A_83 = arith.constant 0 : i32
    %scan3A_84 = arith.constant 64 : i32
    %scan3A_85 = arith.addi %scan3A_83, %scan3A_84 : i32
    %scan3A_86 = arith.constant 1 : i32
    scf.for %scan3A_156 = %scan3A_83 to %scan3A_85 step %scan3A_86  : i32 {
      %rem3A_157 = arith.constant 3 : i32
      %rem3A_158 = arith.remsi %scan3A_156, %rem3A_157 : i32
      %rem3A_159 = arith.constant 4 : i32
      %rem3A_160 = arith.remsi %scan3A_156, %rem3A_159 : i32
      %jit3A = arith.constant 4 : i32
      %div3A = arith.divsi %scan3A_156, %jit3A : i32
      %sign3A = arith.constant 0 : i32
      %sign3A_161 = arith.cmpi sgt, %scan3A_156, %sign3A : i32
      %sign3A_162 = arith.extui %sign3A_161 : i1 to i32
      %sign3A_163 = arith.constant 0 : i32
      %sign3A_164 = arith.cmpi slt, %scan3A_156, %sign3A_163 : i32
      %sign3A_165 = arith.extui %sign3A_164 : i1 to i32
      %sign3A_166 = arith.subi %sign3A_162, %sign3A_165 : i32
      %sign3A_167 = arith.constant 0 : i32
      %sign3A_168 = arith.cmpi sgt, %jit3A, %sign3A_167 : i32
      %sign3A_169 = arith.extui %sign3A_168 : i1 to i32
      %sign3A_170 = arith.constant 0 : i32
      %sign3A_171 = arith.cmpi slt, %jit3A, %sign3A_170 : i32
      %sign3A_172 = arith.extui %sign3A_171 : i1 to i32
      %sign3A_173 = arith.subi %sign3A_169, %sign3A_172 : i32
      %ne3A = arith.cmpi ne, %sign3A_166, %sign3A_173 : i32
      %rem3A_174 = arith.remsi %scan3A_156, %jit3A : i32
      %ne3A_175 = arith.constant 0 : i32
      %ne3A_176 = arith.cmpi ne, %rem3A_174, %ne3A_175 : i32
      %and3A = arith.andi %ne3A, %ne3A_176 : i1
      %sub3A = arith.constant 1 : i32
      %sub3A_177 = arith.subi %div3A, %sub3A : i32
      %select_n3A = arith.select %and3A, %sub3A_177, %div3A : i32
      %rem3A_178 = arith.constant 2 : i32
      %rem3A_179 = arith.remsi %select_n3A, %rem3A_178 : i32
      %eq3A = arith.constant 0 : i32
      %eq3A_180 = arith.cmpi eq, %rem3A_160, %eq3A : i32
      %convert_element_type3A = arith.extui %eq3A_180 : i1 to i32
      %cond3A = arith.constant 0 : i32
      %cond3A_181 = arith.cmpi ne, %convert_element_type3A, %cond3A : i32
      scf.if %cond3A_181 {
        %mul3A_280 = arith.constant 16 : i32
        %mul3A_281 = arith.muli %select_n3A, %mul3A_280 : i32
        %add3A_282 = arith.addi %mul3A_2, %mul3A_281 : i32
        %dma_wait3A_283 = arith.constant 0 : i32
        %dma_wait3A_284 = arith.constant 0 : i32
        %dma_wait3A_285 = tpu.memref_slice %arg6[%rem3A_179, %dma_wait3A_283, %dma_wait3A_284] : memref<2x16x1024xf32, #tpu.memory_space<vmem>> -> memref<1x16x1024xf32, #tpu.memory_space<vmem>>
        %dma_wait3A_286 = tpu.memref_squeeze %dma_wait3A_285 : memref<1x16x1024xf32, #tpu.memory_space<vmem>> -> memref<16x1024xf32, #tpu.memory_space<vmem>>
        %dma_wait3A_287 = arith.constant 0 : i32
        %dma_wait3A_288 = tpu.memref_slice %arg3[%add3A_282, %dma_wait3A_287] : memref<8192x1024xf32, #tpu.memory_space<hbm>> -> memref<16x1024xf32, #tpu.memory_space<hbm>>
        %dma_wait3A_289 = tpu.memref_slice %arg8[%rem3A_179] : memref<2x!tpu.dma_semaphore, #tpu.memory_space<semaphore_mem>> -> memref<1x!tpu.dma_semaphore, #tpu.memory_space<semaphore_mem>>
        %dma_wait3A_290 = tpu.memref_squeeze %dma_wait3A_289 : memref<1x!tpu.dma_semaphore, #tpu.memory_space<semaphore_mem>> -> memref<!tpu.dma_semaphore, #tpu.memory_space<semaphore_mem>>
        %dma_wait3A_291 = arith.constant 0 : i32
        %dma_wait3A_292 = arith.constant 0 : i32
        %dma_wait3A_293 = tpu.memref_slice %arg6[%rem3A_179, %dma_wait3A_291, %dma_wait3A_292] : memref<2x16x1024xf32, #tpu.memory_space<vmem>> -> memref<1x16x1024xf32, #tpu.memory_space<vmem>>
        %dma_wait3A_294 = tpu.memref_squeeze %dma_wait3A_293 : memref<1x16x1024xf32, #tpu.memory_space<vmem>> -> memref<16x1024xf32, #tpu.memory_space<vmem>>
        %dma_wait3A_295 = arith.constant 0 : i32
        %dma_wait3A_296 = tpu.memref_slice %arg3[%add3A_282, %dma_wait3A_295] : memref<8192x1024xf32, #tpu.memory_space<hbm>> -> memref<16x1024xf32, #tpu.memory_space<hbm>>
        tpu.wait_dma2 semaphore(%dma_wait3A_290 : memref<!tpu.dma_semaphore, #tpu.memory_space<semaphore_mem>>) src(%dma_wait3A_296 : memref<16x1024xf32, #tpu.memory_space<hbm>>) dst(%dma_wait3A_294 : memref<16x1024xf32, #tpu.memory_space<vmem>>)
        %ge3A = arith.constant 1 : i32
        %ge3A_297 = arith.cmpi sge, %select_n3A, %ge3A : i32
        %add3A_298 = arith.constant 1 : i32
        %add3A_299 = arith.addi %select_n3A, %add3A_298 : i32
        %lt3A_300 = arith.constant 16 : i32
        %lt3A_301 = arith.cmpi slt, %add3A_299, %lt3A_300 : i32
        %and3A_302 = arith.andi %ge3A_297, %lt3A_301 : i1
        %convert_element_type3A_303 = arith.extui %and3A_302 : i1 to i32
        %cond3A_304 = arith.constant 0 : i32
        %cond3A_305 = arith.cmpi ne, %convert_element_type3A_303, %cond3A_304 : i32
        scf.if %cond3A_305 {
          %add3A_306 = arith.constant 1 : i32
          %add3A_307 = arith.addi %select_n3A, %add3A_306 : i32
          %add3A_308 = arith.constant 1 : i32
          %add3A_309 = arith.addi %select_n3A, %add3A_308 : i32
          %rem3A_310 = arith.constant 2 : i32
          %rem3A_311 = arith.remsi %add3A_309, %rem3A_310 : i32
          %mul3A_312 = arith.constant 16 : i32
          %mul3A_313 = arith.muli %add3A_307, %mul3A_312 : i32
          %add3A_314 = arith.addi %mul3A_2, %mul3A_313 : i32
          %dma_start3A_315 = arith.constant 0 : i32
          %dma_start3A_316 = arith.constant 0 : i32
          %dma_start3A_317 = tpu.memref_slice %arg6[%rem3A_311, %dma_start3A_315, %dma_start3A_316] : memref<2x16x1024xf32, #tpu.memory_space<vmem>> -> memref<1x16x1024xf32, #tpu.memory_space<vmem>>
          %dma_start3A_318 = tpu.memref_squeeze %dma_start3A_317 : memref<1x16x1024xf32, #tpu.memory_space<vmem>> -> memref<16x1024xf32, #tpu.memory_space<vmem>>
          %dma_start3A_319 = arith.constant 0 : i32
          %dma_start3A_320 = tpu.memref_slice %arg3[%add3A_314, %dma_start3A_319] : memref<8192x1024xf32, #tpu.memory_space<hbm>> -> memref<16x1024xf32, #tpu.memory_space<hbm>>
          %dma_start3A_321 = tpu.memref_slice %arg8[%rem3A_311] : memref<2x!tpu.dma_semaphore, #tpu.memory_space<semaphore_mem>> -> memref<1x!tpu.dma_semaphore, #tpu.memory_space<semaphore_mem>>
          %dma_start3A_322 = tpu.memref_squeeze %dma_start3A_321 : memref<1x!tpu.dma_semaphore, #tpu.memory_space<semaphore_mem>> -> memref<!tpu.dma_semaphore, #tpu.memory_space<semaphore_mem>>
          %dma_start3A_323 = arith.constant 0 : i32
          %dma_start3A_324 = arith.constant 0 : i32
          %dma_start3A_325 = tpu.memref_slice %arg6[%rem3A_311, %dma_start3A_323, %dma_start3A_324] : memref<2x16x1024xf32, #tpu.memory_space<vmem>> -> memref<1x16x1024xf32, #tpu.memory_space<vmem>>
          %dma_start3A_326 = tpu.memref_squeeze %dma_start3A_325 : memref<1x16x1024xf32, #tpu.memory_space<vmem>> -> memref<16x1024xf32, #tpu.memory_space<vmem>>
          %dma_start3A_327 = arith.constant 0 : i32
          %dma_start3A_328 = tpu.memref_slice %arg3[%add3A_314, %dma_start3A_327] : memref<8192x1024xf32, #tpu.memory_space<hbm>> -> memref<16x1024xf32, #tpu.memory_space<hbm>>
          tpu.enqueue_dma source(%dma_start3A_328 : memref<16x1024xf32, #tpu.memory_space<hbm>>) target(%dma_start3A_326 : memref<16x1024xf32, #tpu.memory_space<vmem>>) target_semaphore(%dma_start3A_322 : memref<!tpu.dma_semaphore, #tpu.memory_space<semaphore_mem>>)
        } else {
        }
      } else {
      }
      %rem3A_182 = arith.constant 4 : i32
      %rem3A_183 = arith.remsi %scan3A_156, %rem3A_182 : i32
      %jit3A_184 = arith.constant 4 : i32
      %div3A_185 = arith.divsi %scan3A_156, %jit3A_184 : i32
      %sign3A_186 = arith.constant 0 : i32
      %sign3A_187 = arith.cmpi sgt, %scan3A_156, %sign3A_186 : i32
      %sign3A_188 = arith.extui %sign3A_187 : i1 to i32
      %sign3A_189 = arith.constant 0 : i32
      %sign3A_190 = arith.cmpi slt, %scan3A_156, %sign3A_189 : i32
      %sign3A_191 = arith.extui %sign3A_190 : i1 to i32
      %sign3A_192 = arith.subi %sign3A_188, %sign3A_191 : i32
      %sign3A_193 = arith.constant 0 : i32
      %sign3A_194 = arith.cmpi sgt, %jit3A_184, %sign3A_193 : i32
      %sign3A_195 = arith.extui %sign3A_194 : i1 to i32
      %sign3A_196 = arith.constant 0 : i32
      %sign3A_197 = arith.cmpi slt, %jit3A_184, %sign3A_196 : i32
      %sign3A_198 = arith.extui %sign3A_197 : i1 to i32
      %sign3A_199 = arith.subi %sign3A_195, %sign3A_198 : i32
      %ne3A_200 = arith.cmpi ne, %sign3A_192, %sign3A_199 : i32
      %rem3A_201 = arith.remsi %scan3A_156, %jit3A_184 : i32
      %ne3A_202 = arith.constant 0 : i32
      %ne3A_203 = arith.cmpi ne, %rem3A_201, %ne3A_202 : i32
      %and3A_204 = arith.andi %ne3A_200, %ne3A_203 : i1
      %sub3A_205 = arith.constant 1 : i32
      %sub3A_206 = arith.subi %div3A_185, %sub3A_205 : i32
      %select_n3A_207 = arith.select %and3A_204, %sub3A_206, %div3A_185 : i32
      %mul3A_208 = arith.constant 16 : i32
      %mul3A_209 = arith.muli %select_n3A_207, %mul3A_208 : i32
      %add3A_210 = arith.addi %mul3A_2, %mul3A_209 : i32
      %dma_wait3A_211 = arith.constant 0 : i32
      %dma_wait3A_212 = arith.constant 0 : i32
      %dma_wait3A_213 = tpu.memref_slice %arg5[%rem3A_158, %dma_wait3A_211, %dma_wait3A_212] : memref<3x16x1024xf32, #tpu.memory_space<vmem>> -> memref<1x16x1024xf32, #tpu.memory_space<vmem>>
      %dma_wait3A_214 = tpu.memref_squeeze %dma_wait3A_213 : memref<1x16x1024xf32, #tpu.memory_space<vmem>> -> memref<16x1024xf32, #tpu.memory_space<vmem>>
      %dma_wait3A_215 = arith.constant 0 : i32
      %dma_wait3A_216 = tpu.memref_slice %arg2[%rem3A_183, %add3A_210, %dma_wait3A_215] : memref<4x8192x1024xf32, #tpu.memory_space<hbm>> -> memref<1x16x1024xf32, #tpu.memory_space<hbm>>
      %dma_wait3A_217 = tpu.memref_squeeze %dma_wait3A_216 : memref<1x16x1024xf32, #tpu.memory_space<hbm>> -> memref<16x1024xf32, #tpu.memory_space<hbm>>
      %dma_wait3A_218 = tpu.memref_slice %arg7[%rem3A_158] : memref<3x!tpu.dma_semaphore, #tpu.memory_space<semaphore_mem>> -> memref<1x!tpu.dma_semaphore, #tpu.memory_space<semaphore_mem>>
      %dma_wait3A_219 = tpu.memref_squeeze %dma_wait3A_218 : memref<1x!tpu.dma_semaphore, #tpu.memory_space<semaphore_mem>> -> memref<!tpu.dma_semaphore, #tpu.memory_space<semaphore_mem>>
      %dma_wait3A_220 = arith.constant 0 : i32
      %dma_wait3A_221 = arith.constant 0 : i32
      %dma_wait3A_222 = tpu.memref_slice %arg5[%rem3A_158, %dma_wait3A_220, %dma_wait3A_221] : memref<3x16x1024xf32, #tpu.memory_space<vmem>> -> memref<1x16x1024xf32, #tpu.memory_space<vmem>>
      %dma_wait3A_223 = tpu.memref_squeeze %dma_wait3A_222 : memref<1x16x1024xf32, #tpu.memory_space<vmem>> -> memref<16x1024xf32, #tpu.memory_space<vmem>>
      %dma_wait3A_224 = arith.constant 0 : i32
      %dma_wait3A_225 = tpu.memref_slice %arg2[%rem3A_183, %add3A_210, %dma_wait3A_224] : memref<4x8192x1024xf32, #tpu.memory_space<hbm>> -> memref<1x16x1024xf32, #tpu.memory_space<hbm>>
      %dma_wait3A_226 = tpu.memref_squeeze %dma_wait3A_225 : memref<1x16x1024xf32, #tpu.memory_space<hbm>> -> memref<16x1024xf32, #tpu.memory_space<hbm>>
      tpu.wait_dma2 semaphore(%dma_wait3A_219 : memref<!tpu.dma_semaphore, #tpu.memory_space<semaphore_mem>>) src(%dma_wait3A_226 : memref<16x1024xf32, #tpu.memory_space<hbm>>) dst(%dma_wait3A_223 : memref<16x1024xf32, #tpu.memory_space<vmem>>)
      %parallel_loop3A = arith.constant 0 : i32
      %parallel_loop3A_227 = arith.constant 16384 : i32
      %parallel_loop3A_228 = arith.constant 16 : i32
      scf.for %parallel_loop3A_280 = %parallel_loop3A to %parallel_loop3A_227 step %parallel_loop3A_228  : i32 {
        %parallel_loop3A_281 = arith.constant 10 : i32
        %parallel_loop3A_282 = arith.shrui %parallel_loop3A_280, %parallel_loop3A_281 : i32
        %parallel_loop3A_283 = arith.constant 1023 : i32
        %parallel_loop3A_284 = arith.andi %parallel_loop3A_280, %parallel_loop3A_283 : i32
        %parallel_loop3A_285 = tpu.assume_multiple %parallel_loop3A_284, 16 : i32
        %parallel_loop3A_286 = arith.index_cast %rem3A_158 : i32 to index
        %parallel_loop3A_287 = arith.index_cast %parallel_loop3A_282 : i32 to index
        %parallel_loop3A_288 = arith.index_cast %parallel_loop3A_285 : i32 to index
        %parallel_loop3A_289 = tpu.vector_load %arg5[%parallel_loop3A_286, %parallel_loop3A_287, %parallel_loop3A_288] {strides = array<i32>} : memref<3x16x1024xf32, #tpu.memory_space<vmem>>, vector<1x1x16xf32>,
        %parallel_loop3A_290 = vector.shape_cast %parallel_loop3A_289 : vector<1x1x16xf32> to vector<16xf32>
        %parallel_loop3A_291 = arith.index_cast %rem3A_179 : i32 to index
        %parallel_loop3A_292 = arith.index_cast %parallel_loop3A_282 : i32 to index
        %parallel_loop3A_293 = arith.index_cast %parallel_loop3A_285 : i32 to index
        %parallel_loop3A_294 = tpu.vector_load %arg6[%parallel_loop3A_291, %parallel_loop3A_292, %parallel_loop3A_293] {strides = array<i32>} : memref<2x16x1024xf32, #tpu.memory_space<vmem>>, vector<1x1x16xf32>,
        %parallel_loop3A_295 = vector.shape_cast %parallel_loop3A_294 : vector<1x1x16xf32> to vector<16xf32>
        %parallel_loop3A_296 = arith.addf %parallel_loop3A_290, %parallel_loop3A_295 : vector<16xf32>
        %parallel_loop3A_297 = arith.index_cast %rem3A_158 : i32 to index
        %parallel_loop3A_298 = arith.index_cast %parallel_loop3A_282 : i32 to index
        %parallel_loop3A_299 = arith.index_cast %parallel_loop3A_285 : i32 to index
        %parallel_loop3A_300 = tpu.vector_load %arg5[%parallel_loop3A_297, %parallel_loop3A_298, %parallel_loop3A_299] {strides = array<i32>} : memref<3x16x1024xf32, #tpu.memory_space<vmem>>, vector<1x1x16xf32>,
        %parallel_loop3A_301 = vector.shape_cast %parallel_loop3A_300 : vector<1x1x16xf32> to vector<16xf32>
        %parallel_loop3A_302 = vector.shape_cast %parallel_loop3A_296 : vector<16xf32> to vector<1x1x16xf32>
        tpu.vector_store %arg5[%parallel_loop3A_297, %parallel_loop3A_298, %parallel_loop3A_299], %parallel_loop3A_302 {strides = array<i32>} : memref<3x16x1024xf32, #tpu.memory_space<vmem>>, vector<1x1x16xf32>,
      } {sc.loop_unroll_factor = 8 : i64, sc.parallel_access}
      %rem3A_229 = arith.constant 4 : i32
      %rem3A_230 = arith.remsi %scan3A_156, %rem3A_229 : i32
      %jit3A_231 = arith.constant 4 : i32
      %div3A_232 = arith.divsi %scan3A_156, %jit3A_231 : i32
      %sign3A_233 = arith.constant 0 : i32
      %sign3A_234 = arith.cmpi sgt, %scan3A_156, %sign3A_233 : i32
      %sign3A_235 = arith.extui %sign3A_234 : i1 to i32
      %sign3A_236 = arith.constant 0 : i32
      %sign3A_237 = arith.cmpi slt, %scan3A_156, %sign3A_236 : i32
      %sign3A_238 = arith.extui %sign3A_237 : i1 to i32
      %sign3A_239 = arith.subi %sign3A_235, %sign3A_238 : i32
      %sign3A_240 = arith.constant 0 : i32
      %sign3A_241 = arith.cmpi sgt, %jit3A_231, %sign3A_240 : i32
      %sign3A_242 = arith.extui %sign3A_241 : i1 to i32
      %sign3A_243 = arith.constant 0 : i32
      %sign3A_244 = arith.cmpi slt, %jit3A_231, %sign3A_243 : i32
      %sign3A_245 = arith.extui %sign3A_244 : i1 to i32
      %sign3A_246 = arith.subi %sign3A_242, %sign3A_245 : i32
      %ne3A_247 = arith.cmpi ne, %sign3A_239, %sign3A_246 : i32
      %rem3A_248 = arith.remsi %scan3A_156, %jit3A_231 : i32
      %ne3A_249 = arith.constant 0 : i32
      %ne3A_250 = arith.cmpi ne, %rem3A_248, %ne3A_249 : i32
      %and3A_251 = arith.andi %ne3A_247, %ne3A_250 : i1
      %sub3A_252 = arith.constant 1 : i32
      %sub3A_253 = arith.subi %div3A_232, %sub3A_252 : i32
      %select_n3A_254 = arith.select %and3A_251, %sub3A_253, %div3A_232 : i32
      %mul3A_255 = arith.constant 16 : i32
      %mul3A_256 = arith.muli %select_n3A_254, %mul3A_255 : i32
      %add3A_257 = arith.addi %mul3A_2, %mul3A_256 : i32
      %dma_start3A_258 = arith.constant 0 : i32
      %dma_start3A_259 = arith.constant 0 : i32
      %dma_start3A_260 = tpu.memref_slice %arg5[%rem3A_158, %dma_start3A_258, %dma_start3A_259] : memref<3x16x1024xf32, #tpu.memory_space<vmem>> -> memref<1x16x1024xf32, #tpu.memory_space<vmem>>
      %dma_start3A_261 = tpu.memref_squeeze %dma_start3A_260 : memref<1x16x1024xf32, #tpu.memory_space<vmem>> -> memref<16x1024xf32, #tpu.memory_space<vmem>>
      %dma_start3A_262 = arith.constant 0 : i32
      %dma_start3A_263 = tpu.memref_slice %arg4[%rem3A_230, %add3A_257, %dma_start3A_262] : memref<4x8192x1024xf32, #tpu.memory_space<hbm>> -> memref<1x16x1024xf32, #tpu.memory_space<hbm>>
      %dma_start3A_264 = tpu.memref_squeeze %dma_start3A_263 : memref<1x16x1024xf32, #tpu.memory_space<hbm>> -> memref<16x1024xf32, #tpu.memory_space<hbm>>
      %dma_start3A_265 = tpu.memref_slice %arg9[%rem3A_158] : memref<3x!tpu.dma_semaphore, #tpu.memory_space<semaphore_mem>> -> memref<1x!tpu.dma_semaphore, #tpu.memory_space<semaphore_mem>>
      %dma_start3A_266 = tpu.memref_squeeze %dma_start3A_265 : memref<1x!tpu.dma_semaphore, #tpu.memory_space<semaphore_mem>> -> memref<!tpu.dma_semaphore, #tpu.memory_space<semaphore_mem>>
      %dma_start3A_267 = arith.constant 0 : i32
      %dma_start3A_268 = tpu.memref_slice %arg4[%rem3A_230, %add3A_257, %dma_start3A_267] : memref<4x8192x1024xf32, #tpu.memory_space<hbm>> -> memref<1x16x1024xf32, #tpu.memory_space<hbm>>
      %dma_start3A_269 = tpu.memref_squeeze %dma_start3A_268 : memref<1x16x1024xf32, #tpu.memory_space<hbm>> -> memref<16x1024xf32, #tpu.memory_space<hbm>>
      %dma_start3A_270 = arith.constant 0 : i32
      %dma_start3A_271 = arith.constant 0 : i32
      %dma_start3A_272 = tpu.memref_slice %arg5[%rem3A_158, %dma_start3A_270, %dma_start3A_271] : memref<3x16x1024xf32, #tpu.memory_space<vmem>> -> memref<1x16x1024xf32, #tpu.memory_space<vmem>>
      %dma_start3A_273 = tpu.memref_squeeze %dma_start3A_272 : memref<1x16x1024xf32, #tpu.memory_space<vmem>> -> memref<16x1024xf32, #tpu.memory_space<vmem>>
      tpu.enqueue_dma source(%dma_start3A_273 : memref<16x1024xf32, #tpu.memory_space<vmem>>) target(%dma_start3A_269 : memref<16x1024xf32, #tpu.memory_space<hbm>>) target_semaphore(%dma_start3A_266 : memref<!tpu.dma_semaphore, #tpu.memory_space<semaphore_mem>>)
      %add3A_274 = arith.constant 2 : i32
      %add3A_275 = arith.addi %scan3A_156, %add3A_274 : i32
      %lt3A = arith.constant 64 : i32
      %lt3A_276 = arith.cmpi slt, %add3A_275, %lt3A : i32
      %convert_element_type3A_277 = arith.extui %lt3A_276 : i1 to i32
      %cond3A_278 = arith.constant 0 : i32
      %cond3A_279 = arith.cmpi ne, %convert_element_type3A_277, %cond3A_278 : i32
      scf.if %cond3A_279 {
        %ge3A = arith.constant 1 : i32
        %ge3A_280 = arith.cmpi sge, %scan3A_156, %ge3A : i32
        %convert_element_type3A_281 = arith.extui %ge3A_280 : i1 to i32
        %cond3A_282 = arith.constant 0 : i32
        %cond3A_283 = arith.cmpi ne, %convert_element_type3A_281, %cond3A_282 : i32
        scf.if %cond3A_283 {
          %sub3A_335 = arith.constant 1 : i32
          %sub3A_336 = arith.subi %scan3A_156, %sub3A_335 : i32
          %add3A_337 = arith.constant 2 : i32
          %add3A_338 = arith.addi %scan3A_156, %add3A_337 : i32
          %rem3A_339 = arith.constant 3 : i32
          %rem3A_340 = arith.remsi %add3A_338, %rem3A_339 : i32
          %rem3A_341 = arith.constant 4 : i32
          %rem3A_342 = arith.remsi %sub3A_336, %rem3A_341 : i32
          %jit3A_343 = arith.constant 4 : i32
          %div3A_344 = arith.divsi %sub3A_336, %jit3A_343 : i32
          %sign3A_345 = arith.constant 0 : i32
          %sign3A_346 = arith.cmpi sgt, %sub3A_336, %sign3A_345 : i32
          %sign3A_347 = arith.extui %sign3A_346 : i1 to i32
          %sign3A_348 = arith.constant 0 : i32
          %sign3A_349 = arith.cmpi slt, %sub3A_336, %sign3A_348 : i32
          %sign3A_350 = arith.extui %sign3A_349 : i1 to i32
          %sign3A_351 = arith.subi %sign3A_347, %sign3A_350 : i32
          %sign3A_352 = arith.constant 0 : i32
          %sign3A_353 = arith.cmpi sgt, %jit3A_343, %sign3A_352 : i32
          %sign3A_354 = arith.extui %sign3A_353 : i1 to i32
          %sign3A_355 = arith.constant 0 : i32
          %sign3A_356 = arith.cmpi slt, %jit3A_343, %sign3A_355 : i32
          %sign3A_357 = arith.extui %sign3A_356 : i1 to i32
          %sign3A_358 = arith.subi %sign3A_354, %sign3A_357 : i32
          %ne3A_359 = arith.cmpi ne, %sign3A_351, %sign3A_358 : i32
          %rem3A_360 = arith.remsi %sub3A_336, %jit3A_343 : i32
          %ne3A_361 = arith.constant 0 : i32
          %ne3A_362 = arith.cmpi ne, %rem3A_360, %ne3A_361 : i32
          %and3A_363 = arith.andi %ne3A_359, %ne3A_362 : i1
          %sub3A_364 = arith.constant 1 : i32
          %sub3A_365 = arith.subi %div3A_344, %sub3A_364 : i32
          %select_n3A_366 = arith.select %and3A_363, %sub3A_365, %div3A_344 : i32
          %mul3A_367 = arith.constant 16 : i32
          %mul3A_368 = arith.muli %select_n3A_366, %mul3A_367 : i32
          %add3A_369 = arith.addi %mul3A_2, %mul3A_368 : i32
          %dma_wait3A_370 = arith.constant 0 : i32
          %dma_wait3A_371 = arith.constant 0 : i32
          %dma_wait3A_372 = tpu.memref_slice %arg5[%rem3A_340, %dma_wait3A_370, %dma_wait3A_371] : memref<3x16x1024xf32, #tpu.memory_space<vmem>> -> memref<1x16x1024xf32, #tpu.memory_space<vmem>>
          %dma_wait3A_373 = tpu.memref_squeeze %dma_wait3A_372 : memref<1x16x1024xf32, #tpu.memory_space<vmem>> -> memref<16x1024xf32, #tpu.memory_space<vmem>>
          %dma_wait3A_374 = arith.constant 0 : i32
          %dma_wait3A_375 = tpu.memref_slice %arg4[%rem3A_342, %add3A_369, %dma_wait3A_374] : memref<4x8192x1024xf32, #tpu.memory_space<hbm>> -> memref<1x16x1024xf32, #tpu.memory_space<hbm>>
          %dma_wait3A_376 = tpu.memref_squeeze %dma_wait3A_375 : memref<1x16x1024xf32, #tpu.memory_space<hbm>> -> memref<16x1024xf32, #tpu.memory_space<hbm>>
          %dma_wait3A_377 = tpu.memref_slice %arg9[%rem3A_340] : memref<3x!tpu.dma_semaphore, #tpu.memory_space<semaphore_mem>> -> memref<1x!tpu.dma_semaphore, #tpu.memory_space<semaphore_mem>>
          %dma_wait3A_378 = tpu.memref_squeeze %dma_wait3A_377 : memref<1x!tpu.dma_semaphore, #tpu.memory_space<semaphore_mem>> -> memref<!tpu.dma_semaphore, #tpu.memory_space<semaphore_mem>>
          %dma_wait3A_379 = arith.constant 0 : i32
          %dma_wait3A_380 = tpu.memref_slice %arg4[%rem3A_342, %add3A_369, %dma_wait3A_379] : memref<4x8192x1024xf32, #tpu.memory_space<hbm>> -> memref<1x16x1024xf32, #tpu.memory_space<hbm>>
          %dma_wait3A_381 = tpu.memref_squeeze %dma_wait3A_380 : memref<1x16x1024xf32, #tpu.memory_space<hbm>> -> memref<16x1024xf32, #tpu.memory_space<hbm>>
          %dma_wait3A_382 = arith.constant 0 : i32
          %dma_wait3A_383 = arith.constant 0 : i32
          %dma_wait3A_384 = tpu.memref_slice %arg5[%rem3A_340, %dma_wait3A_382, %dma_wait3A_383] : memref<3x16x1024xf32, #tpu.memory_space<vmem>> -> memref<1x16x1024xf32, #tpu.memory_space<vmem>>
          %dma_wait3A_385 = tpu.memref_squeeze %dma_wait3A_384 : memref<1x16x1024xf32, #tpu.memory_space<vmem>> -> memref<16x1024xf32, #tpu.memory_space<vmem>>
          tpu.wait_dma2 semaphore(%dma_wait3A_378 : memref<!tpu.dma_semaphore, #tpu.memory_space<semaphore_mem>>) src(%dma_wait3A_385 : memref<16x1024xf32, #tpu.memory_space<vmem>>) dst(%dma_wait3A_381 : memref<16x1024xf32, #tpu.memory_space<hbm>>)
        } else {
        }
        %add3A_284 = arith.constant 2 : i32
        %add3A_285 = arith.addi %scan3A_156, %add3A_284 : i32
        %add3A_286 = arith.constant 2 : i32
        %add3A_287 = arith.addi %scan3A_156, %add3A_286 : i32
        %rem3A_288 = arith.constant 3 : i32
        %rem3A_289 = arith.remsi %add3A_287, %rem3A_288 : i32
        %rem3A_290 = arith.constant 4 : i32
        %rem3A_291 = arith.remsi %add3A_285, %rem3A_290 : i32
        %jit3A_292 = arith.constant 4 : i32
        %div3A_293 = arith.divsi %add3A_285, %jit3A_292 : i32
        %sign3A_294 = arith.constant 0 : i32
        %sign3A_295 = arith.cmpi sgt, %add3A_285, %sign3A_294 : i32
        %sign3A_296 = arith.extui %sign3A_295 : i1 to i32
        %sign3A_297 = arith.constant 0 : i32
        %sign3A_298 = arith.cmpi slt, %add3A_285, %sign3A_297 : i32
        %sign3A_299 = arith.extui %sign3A_298 : i1 to i32
        %sign3A_300 = arith.subi %sign3A_296, %sign3A_299 : i32
        %sign3A_301 = arith.constant 0 : i32
        %sign3A_302 = arith.cmpi sgt, %jit3A_292, %sign3A_301 : i32
        %sign3A_303 = arith.extui %sign3A_302 : i1 to i32
        %sign3A_304 = arith.constant 0 : i32
        %sign3A_305 = arith.cmpi slt, %jit3A_292, %sign3A_304 : i32
        %sign3A_306 = arith.extui %sign3A_305 : i1 to i32
        %sign3A_307 = arith.subi %sign3A_303, %sign3A_306 : i32
        %ne3A_308 = arith.cmpi ne, %sign3A_300, %sign3A_307 : i32
        %rem3A_309 = arith.remsi %add3A_285, %jit3A_292 : i32
        %ne3A_310 = arith.constant 0 : i32
        %ne3A_311 = arith.cmpi ne, %rem3A_309, %ne3A_310 : i32
        %and3A_312 = arith.andi %ne3A_308, %ne3A_311 : i1
        %sub3A_313 = arith.constant 1 : i32
        %sub3A_314 = arith.subi %div3A_293, %sub3A_313 : i32
        %select_n3A_315 = arith.select %and3A_312, %sub3A_314, %div3A_293 : i32
        %mul3A_316 = arith.constant 16 : i32
        %mul3A_317 = arith.muli %select_n3A_315, %mul3A_316 : i32
        %add3A_318 = arith.addi %mul3A_2, %mul3A_317 : i32
        %dma_start3A_319 = arith.constant 0 : i32
        %dma_start3A_320 = arith.constant 0 : i32
        %dma_start3A_321 = tpu.memref_slice %arg5[%rem3A_289, %dma_start3A_319, %dma_start3A_320] : memref<3x16x1024xf32, #tpu.memory_space<vmem>> -> memref<1x16x1024xf32, #tpu.memory_space<vmem>>
        %dma_start3A_322 = tpu.memref_squeeze %dma_start3A_321 : memref<1x16x1024xf32, #tpu.memory_space<vmem>> -> memref<16x1024xf32, #tpu.memory_space<vmem>>
        %dma_start3A_323 = arith.constant 0 : i32
        %dma_start3A_324 = tpu.memref_slice %arg2[%rem3A_291, %add3A_318, %dma_start3A_323] : memref<4x8192x1024xf32, #tpu.memory_space<hbm>> -> memref<1x16x1024xf32, #tpu.memory_space<hbm>>
        %dma_start3A_325 = tpu.memref_squeeze %dma_start3A_324 : memref<1x16x1024xf32, #tpu.memory_space<hbm>> -> memref<16x1024xf32, #tpu.memory_space<hbm>>
        %dma_start3A_326 = tpu.memref_slice %arg7[%rem3A_289] : memref<3x!tpu.dma_semaphore, #tpu.memory_space<semaphore_mem>> -> memref<1x!tpu.dma_semaphore, #tpu.memory_space<semaphore_mem>>
        %dma_start3A_327 = tpu.memref_squeeze %dma_start3A_326 : memref<1x!tpu.dma_semaphore, #tpu.memory_space<semaphore_mem>> -> memref<!tpu.dma_semaphore, #tpu.memory_space<semaphore_mem>>
        %dma_start3A_328 = arith.constant 0 : i32
        %dma_start3A_329 = arith.constant 0 : i32
        %dma_start3A_330 = tpu.memref_slice %arg5[%rem3A_289, %dma_start3A_328, %dma_start3A_329] : memref<3x16x1024xf32, #tpu.memory_space<vmem>> -> memref<1x16x1024xf32, #tpu.memory_space<vmem>>
        %dma_start3A_331 = tpu.memref_squeeze %dma_start3A_330 : memref<1x16x1024xf32, #tpu.memory_space<vmem>> -> memref<16x1024xf32, #tpu.memory_space<vmem>>
        %dma_start3A_332 = arith.constant 0 : i32
        %dma_start3A_333 = tpu.memref_slice %arg2[%rem3A_291, %add3A_318, %dma_start3A_332] : memref<4x8192x1024xf32, #tpu.memory_space<hbm>> -> memref<1x16x1024xf32, #tpu.memory_space<hbm>>
        %dma_start3A_334 = tpu.memref_squeeze %dma_start3A_333 : memref<1x16x1024xf32, #tpu.memory_space<hbm>> -> memref<16x1024xf32, #tpu.memory_space<hbm>>
        tpu.enqueue_dma source(%dma_start3A_334 : memref<16x1024xf32, #tpu.memory_space<hbm>>) target(%dma_start3A_331 : memref<16x1024xf32, #tpu.memory_space<vmem>>) target_semaphore(%dma_start3A_327 : memref<!tpu.dma_semaphore, #tpu.memory_space<semaphore_mem>>)
      } else {
      }
    }
    %scan3A_87 = arith.constant 64 : i32
    %rem3A_88 = arith.constant 61 : i32
    %rem3A_89 = arith.constant 4 : i32
    %rem3A_90 = arith.remsi %rem3A_88, %rem3A_89 : i32
    %add3A_91 = arith.constant 240 : i32
    %add3A_92 = arith.addi %mul3A_2, %add3A_91 : i32
    %dma_wait3A = arith.constant 1 : i32
    %dma_wait3A_93 = arith.constant 1 : i32
    %dma_wait3A_94 = arith.constant 0 : i32
    %dma_wait3A_95 = arith.constant 0 : i32
    %dma_wait3A_96 = tpu.memref_slice %arg5[%dma_wait3A, %dma_wait3A_94, %dma_wait3A_95] : memref<3x16x1024xf32, #tpu.memory_space<vmem>> -> memref<1x16x1024xf32, #tpu.memory_space<vmem>>
    %dma_wait3A_97 = tpu.memref_squeeze %dma_wait3A_96 : memref<1x16x1024xf32, #tpu.memory_space<vmem>> -> memref<16x1024xf32, #tpu.memory_space<vmem>>
    %dma_wait3A_98 = arith.constant 0 : i32
    %dma_wait3A_99 = tpu.memref_slice %arg4[%rem3A_90, %add3A_92, %dma_wait3A_98] : memref<4x8192x1024xf32, #tpu.memory_space<hbm>> -> memref<1x16x1024xf32, #tpu.memory_space<hbm>>
    %dma_wait3A_100 = tpu.memref_squeeze %dma_wait3A_99 : memref<1x16x1024xf32, #tpu.memory_space<hbm>> -> memref<16x1024xf32, #tpu.memory_space<hbm>>
    %dma_wait3A_101 = tpu.memref_slice %arg9[%dma_wait3A_93] : memref<3x!tpu.dma_semaphore, #tpu.memory_space<semaphore_mem>> -> memref<1x!tpu.dma_semaphore, #tpu.memory_space<semaphore_mem>>
    %dma_wait3A_102 = tpu.memref_squeeze %dma_wait3A_101 : memref<1x!tpu.dma_semaphore, #tpu.memory_space<semaphore_mem>> -> memref<!tpu.dma_semaphore, #tpu.memory_space<semaphore_mem>>
    %dma_wait3A_103 = arith.constant 0 : i32
    %dma_wait3A_104 = tpu.memref_slice %arg4[%rem3A_90, %add3A_92, %dma_wait3A_103] : memref<4x8192x1024xf32, #tpu.memory_space<hbm>> -> memref<1x16x1024xf32, #tpu.memory_space<hbm>>
    %dma_wait3A_105 = tpu.memref_squeeze %dma_wait3A_104 : memref<1x16x1024xf32, #tpu.memory_space<hbm>> -> memref<16x1024xf32, #tpu.memory_space<hbm>>
    %dma_wait3A_106 = arith.constant 0 : i32
    %dma_wait3A_107 = arith.constant 0 : i32
    %dma_wait3A_108 = tpu.memref_slice %arg5[%dma_wait3A, %dma_wait3A_106, %dma_wait3A_107] : memref<3x16x1024xf32, #tpu.memory_space<vmem>> -> memref<1x16x1024xf32, #tpu.memory_space<vmem>>
    %dma_wait3A_109 = tpu.memref_squeeze %dma_wait3A_108 : memref<1x16x1024xf32, #tpu.memory_space<vmem>> -> memref<16x1024xf32, #tpu.memory_space<vmem>>
    tpu.wait_dma2 semaphore(%dma_wait3A_102 : memref<!tpu.dma_semaphore, #tpu.memory_space<semaphore_mem>>) src(%dma_wait3A_109 : memref<16x1024xf32, #tpu.memory_space<vmem>>) dst(%dma_wait3A_105 : memref<16x1024xf32, #tpu.memory_space<hbm>>)
    %rem3A_110 = arith.constant 62 : i32
    %rem3A_111 = arith.constant 4 : i32
    %rem3A_112 = arith.remsi %rem3A_110, %rem3A_111 : i32
    %add3A_113 = arith.constant 240 : i32
    %add3A_114 = arith.addi %mul3A_2, %add3A_113 : i32
    %dma_wait3A_115 = arith.constant 2 : i32
    %dma_wait3A_116 = arith.constant 2 : i32
    %dma_wait3A_117 = arith.constant 0 : i32
    %dma_wait3A_118 = arith.constant 0 : i32
    %dma_wait3A_119 = tpu.memref_slice %arg5[%dma_wait3A_115, %dma_wait3A_117, %dma_wait3A_118] : memref<3x16x1024xf32, #tpu.memory_space<vmem>> -> memref<1x16x1024xf32, #tpu.memory_space<vmem>>
    %dma_wait3A_120 = tpu.memref_squeeze %dma_wait3A_119 : memref<1x16x1024xf32, #tpu.memory_space<vmem>> -> memref<16x1024xf32, #tpu.memory_space<vmem>>
    %dma_wait3A_121 = arith.constant 0 : i32
    %dma_wait3A_122 = tpu.memref_slice %arg4[%rem3A_112, %add3A_114, %dma_wait3A_121] : memref<4x8192x1024xf32, #tpu.memory_space<hbm>> -> memref<1x16x1024xf32, #tpu.memory_space<hbm>>
    %dma_wait3A_123 = tpu.memref_squeeze %dma_wait3A_122 : memref<1x16x1024xf32, #tpu.memory_space<hbm>> -> memref<16x1024xf32, #tpu.memory_space<hbm>>
    %dma_wait3A_124 = tpu.memref_slice %arg9[%dma_wait3A_116] : memref<3x!tpu.dma_semaphore, #tpu.memory_space<semaphore_mem>> -> memref<1x!tpu.dma_semaphore, #tpu.memory_space<semaphore_mem>>
    %dma_wait3A_125 = tpu.memref_squeeze %dma_wait3A_124 : memref<1x!tpu.dma_semaphore, #tpu.memory_space<semaphore_mem>> -> memref<!tpu.dma_semaphore, #tpu.memory_space<semaphore_mem>>
    %dma_wait3A_126 = arith.constant 0 : i32
    %dma_wait3A_127 = tpu.memref_slice %arg4[%rem3A_112, %add3A_114, %dma_wait3A_126] : memref<4x8192x1024xf32, #tpu.memory_space<hbm>> -> memref<1x16x1024xf32, #tpu.memory_space<hbm>>
    %dma_wait3A_128 = tpu.memref_squeeze %dma_wait3A_127 : memref<1x16x1024xf32, #tpu.memory_space<hbm>> -> memref<16x1024xf32, #tpu.memory_space<hbm>>
    %dma_wait3A_129 = arith.constant 0 : i32
    %dma_wait3A_130 = arith.constant 0 : i32
    %dma_wait3A_131 = tpu.memref_slice %arg5[%dma_wait3A_115, %dma_wait3A_129, %dma_wait3A_130] : memref<3x16x1024xf32, #tpu.memory_space<vmem>> -> memref<1x16x1024xf32, #tpu.memory_space<vmem>>
    %dma_wait3A_132 = tpu.memref_squeeze %dma_wait3A_131 : memref<1x16x1024xf32, #tpu.memory_space<vmem>> -> memref<16x1024xf32, #tpu.memory_space<vmem>>
    tpu.wait_dma2 semaphore(%dma_wait3A_125 : memref<!tpu.dma_semaphore, #tpu.memory_space<semaphore_mem>>) src(%dma_wait3A_132 : memref<16x1024xf32, #tpu.memory_space<vmem>>) dst(%dma_wait3A_128 : memref<16x1024xf32, #tpu.memory_space<hbm>>)
    %rem3A_133 = arith.constant 63 : i32
    %rem3A_134 = arith.constant 4 : i32
    %rem3A_135 = arith.remsi %rem3A_133, %rem3A_134 : i32
    %add3A_136 = arith.constant 240 : i32
    %add3A_137 = arith.addi %mul3A_2, %add3A_136 : i32
    %dma_wait3A_138 = arith.constant 0 : i32
    %dma_wait3A_139 = arith.constant 0 : i32
    %dma_wait3A_140 = arith.constant 0 : i32
    %dma_wait3A_141 = arith.constant 0 : i32
    %dma_wait3A_142 = tpu.memref_slice %arg5[%dma_wait3A_138, %dma_wait3A_140, %dma_wait3A_141] : memref<3x16x1024xf32, #tpu.memory_space<vmem>> -> memref<1x16x1024xf32, #tpu.memory_space<vmem>>
    %dma_wait3A_143 = tpu.memref_squeeze %dma_wait3A_142 : memref<1x16x1024xf32, #tpu.memory_space<vmem>> -> memref<16x1024xf32, #tpu.memory_space<vmem>>
    %dma_wait3A_144 = arith.constant 0 : i32
    %dma_wait3A_145 = tpu.memref_slice %arg4[%rem3A_135, %add3A_137, %dma_wait3A_144] : memref<4x8192x1024xf32, #tpu.memory_space<hbm>> -> memref<1x16x1024xf32, #tpu.memory_space<hbm>>
    %dma_wait3A_146 = tpu.memref_squeeze %dma_wait3A_145 : memref<1x16x1024xf32, #tpu.memory_space<hbm>> -> memref<16x1024xf32, #tpu.memory_space<hbm>>
    %dma_wait3A_147 = tpu.memref_slice %arg9[%dma_wait3A_139] : memref<3x!tpu.dma_semaphore, #tpu.memory_space<semaphore_mem>> -> memref<1x!tpu.dma_semaphore, #tpu.memory_space<semaphore_mem>>
    %dma_wait3A_148 = tpu.memref_squeeze %dma_wait3A_147 : memref<1x!tpu.dma_semaphore, #tpu.memory_space<semaphore_mem>> -> memref<!tpu.dma_semaphore, #tpu.memory_space<semaphore_mem>>
    %dma_wait3A_149 = arith.constant 0 : i32
    %dma_wait3A_150 = tpu.memref_slice %arg4[%rem3A_135, %add3A_137, %dma_wait3A_149] : memref<4x8192x1024xf32, #tpu.memory_space<hbm>> -> memref<1x16x1024xf32, #tpu.memory_space<hbm>>
    %dma_wait3A_151 = tpu.memref_squeeze %dma_wait3A_150 : memref<1x16x1024xf32, #tpu.memory_space<hbm>> -> memref<16x1024xf32, #tpu.memory_space<hbm>>
    %dma_wait3A_152 = arith.constant 0 : i32
    %dma_wait3A_153 = arith.constant 0 : i32
    %dma_wait3A_154 = tpu.memref_slice %arg5[%dma_wait3A_138, %dma_wait3A_152, %dma_wait3A_153] : memref<3x16x1024xf32, #tpu.memory_space<vmem>> -> memref<1x16x1024xf32, #tpu.memory_space<vmem>>
    %dma_wait3A_155 = tpu.memref_squeeze %dma_wait3A_154 : memref<1x16x1024xf32, #tpu.memory_space<vmem>> -> memref<16x1024xf32, #tpu.memory_space<vmem>>
    tpu.wait_dma2 semaphore(%dma_wait3A_148 : memref<!tpu.dma_semaphore, #tpu.memory_space<semaphore_mem>>) src(%dma_wait3A_155 : memref<16x1024xf32, #tpu.memory_space<vmem>>) dst(%dma_wait3A_151 : memref<16x1024xf32, #tpu.memory_space<hbm>>)
    return
  }
}

</mosaic_0001>

<sc_bundles>
// kernel: kernel.3.cloned.1.call-start
scs
__scs_entry_jumppad:
0x0: {  	(pc) =	sbr.rel $0x88, $3  }
0x1: {  	(tag) =	ssettag $0x0;
	lr =	simm.s32 $0x1  }
0x2: {  	[smem:$0x3F9F] =	sst lr;
	_ =	strace $0xD0000000  }
0x3: {  	_ = 	snop  }
0x4: {  	_ = 	snop  }
0x5: {  	_ = 	snop  }
0x6: {  	_ = 	snop  }
0x7: {  	_ = 	snop  }
__scs_overlays_trampoline_lowered:
0x8: {  	[smem:$0x3FAE] =	sst s0  }
0x9: {  	[smem:$0x3FAF] =	sst s1  }
0xa: {  	[smem:$0x3FB0] =	sst s2  }
0xb: {  	[smem:$0x3FB1] =	sst s3  }
0xc: {  	[smem:$0x3FB2] =	sst s4  }
0xd: {  	[smem:$0x3FB3] =	sst s5  }
0xe: {  	[smem:$0x3FB4] =	sst s6  }
0xf: {  	[smem:$0x3FB5] =	sst s7  }
0x10: {  	[smem:$0x3FB6] =	sst s8  }
0x11: {  	[smem:$0x3FB7] =	sst s9;
	s0 =	simm.s32 @!p0 $0x0  }
0x12: {  	s1 =	sld [smem:$0x3F9D];
	s0 =	simm.s32 @p0 $0x1  }
0x13: {  	[smem:$0x3FB8] =	sst s0;
	s0 =	simm.s32 @!p1 $0x0  }
0x14: {  	s2 =	sld [smem:$0x3F9C];
	s0 =	simm.s32 @p1 $0x1  }
0x15: {  	[smem:$0x3FB9] =	sst s0;
	s0 =	simm.s32 @!p2 $0x0  }
0x16: {  	s3 =	sld [smem:$0x3FDB];
	s0 =	simm.s32 @p2 $0x1  }
0x17: {  	s4 =	simm.s32 $0x1BF5;
	[smem:$0x3FBB] =	sst s0  }
0x18: {  	s0 =	sld [smem:$0x3F9E];
	_ =	swait.ge [sflag:s4], $0x0  }
0x19: {  	s7 =	sld [smem:$0x3F9F]  }
0x1a: {  	s8 =	sadd.s32 $0xFFFFE003, lr  }
0x1b: {  	s9 =	sadd.s32 $0xFFFFFEF7, lr;
	s5 =	simm.s32 $0xFFFFFFFF;
	p2 =	slt.u32 s8, $0xFFFFF086  }
0x1c: {  	p1 =	slt.u32 s9, $0xF7A;
	s5 =	simm.s32 @!p2 $0x0  }
0x1d: {  	s5 =	simm.s32 @p1 $0x1;
	p0 =	seq.s32 s7, s2  }
0x1e: {  	s7 =	smul.u32 @!p0 $0xF7A, s2;
	p2 =	seq.s32 @!p0 s5, $0x0  }
0x1f: {  	s9 =	smul.u32 $0xF7A, s1;
	s8 =	simm.s32 @!p0 $0x1BF5;
	p2 =	por !p2, p0  }
0x20: {  	[sflag:s8] =	ssyncset.s32 @!p0 $0xFFFFF086;
	s6 =	sadd.s32 @!p0 s3, s7;
	s7 =	simm.s32 @!p0 $0x108  }
0x21: {  	s3 =	sadd.s32 s3, s9;
	s6 =	sadd.s32 @!p0 $0x88, s6;
	s7 =	simm.s32 @p2 $0x1082  }
0x22: {  	[simem:s7], [sflag:s8] =	dma.local @!p0 [hbm:s6], $0xF7A  }
0x23: {  	s9 =	sor.u32 $0xD0000000, s2;
	s6 =	simm.s32 $0x108;
	_ =	swait.ge @!p0 [sflag:s8], $0x0  }
0x24: {  	s3 =	sadd.s32 $0x88, s3;
	s6 =	simm.s32 @!p1 $0x1082;
	[sflag:s4] =	ssyncset.s32 $0xFFFFF086  }
0x25: {  	[simem:s6], [sflag:s4] =	dma.local [hbm:s3], $0xF7A  }
0x26: {  	[smem:$0x3F9F] =	sst s1;
	(tag) =	ssettag s2;
	_ =	strace s9  }
0x27: {  	s1 =	sld [smem:$0x3FAF]  }
0x28: {  	s2 =	sld [smem:$0x3FB0]  }
0x29: {  	s4 =	sld [smem:$0x3FB2]  }
0x2a: {  	p0 =	seq.s32 s5, $0x0;
	s5 =	sld [smem:$0x3FB3]  }
0x2b: {  	s6 =	sld [smem:$0x3FB4]  }
0x2c: {  	s7 =	sld [smem:$0x3FB5]  }
0x2d: {  	s3 =	simm.s32 $0x108;
	s8 =	sld [smem:$0x3FB6]  }
0x2e: {  	s3 =	simm.s32 @!p0 $0x1082;
	s9 =	sld [smem:$0x3FB7]  }
0x2f: {  	lr =	sadd.s32 s0, s3;
	s0 =	sld [smem:$0x3FAE]  }
0x30: {  	s3 =	sld [smem:$0x3FB1]  }
0x31: {  	[smem:$0x3FBA] =	sst s10  }
0x32: {  	s10 =	sld [smem:$0x3FB8];
	_ =	sdelay $0x3  }
0x33: {  	p0 =	seq.s32 s10, $0x1;
	s10 =	sld [smem:$0x3FBA];
	_ =	sdelay $0x3  }
0x34: {  	[smem:$0x3FBA] =	sst s10  }
0x35: {  	s10 =	sld [smem:$0x3FB9];
	_ =	sdelay $0x3  }
0x36: {  	p1 =	seq.s32 s10, $0x1;
	s10 =	sld [smem:$0x3FBA];
	_ =	sdelay $0x3  }
0x37: {  	[smem:$0x3FBA] =	sst s10  }
0x38: {  	s10 =	sld [smem:$0x3FBB]  }
0x39: {  	_ = 	snop;
	(pc) =	sbr.ind lr, $3  }
0x3a: {  	_ = 	snop  }
0x3b: {  	_ = 	snop  }
0x3c: {  	p2 =	seq.s32 s10, $0x1;
	s10 =	sld [smem:$0x3FBA]  }
0x3d: {  	_ =	shalt  }
0x3e: {  	_ =	shalt  }
0x3f: {  	_ =	shalt  }
0x40: {  	_ =	shalt  }
0x41: {  	_ =	shalt  }
0x42: {  	_ =	shalt  }
0x43: {  	_ =	shalt  }
0x44: {  	_ =	shalt  }
0x45: {  	_ =	shalt  }
0x46: {  	_ =	shalt  }
0x47: {  	_ =	shalt  }
0x48: {  	_ =	shalt  }
0x49: {  	_ =	shalt  }
0x4a: {  	_ =	shalt  }
0x4b: {  	_ =	shalt  }
0x4c: {  	_ =	shalt  }
0x4d: {  	_ =	shalt  }
0x4e: {  	_ =	shalt  }
0x4f: {  	_ =	shalt  }
0x50: {  	_ =	shalt  }
0x51: {  	_ =	shalt  }
0x52: {  	_ =	shalt  }
0x53: {  	_ =	shalt  }
0x54: {  	_ =	shalt  }
0x55: {  	_ =	shalt  }
0x56: {  	_ =	shalt  }
0x57: {  	_ =	shalt  }
0x58: {  	_ =	shalt  }
0x59: {  	_ =	shalt  }
0x5a: {  	_ =	shalt  }
0x5b: {  	_ =	shalt  }
0x5c: {  	_ =	shalt  }
0x5d: {  	_ =	shalt  }
0x5e: {  	_ =	shalt  }
0x5f: {  	_ =	shalt  }
0x60: {  	_ =	shalt  }
0x61: {  	_ =	shalt  }
0x62: {  	_ =	shalt  }
0x63: {  	_ =	shalt  }
0x64: {  	_ =	shalt  }
0x65: {  	_ =	shalt  }
0x66: {  	_ =	shalt  }
0x67: {  	_ =	shalt  }
0x68: {  	_ =	shalt  }
0x69: {  	_ =	shalt  }
0x6a: {  	_ =	shalt  }
0x6b: {  	_ =	shalt  }
0x6c: {  	_ =	shalt  }
0x6d: {  	_ =	shalt  }
0x6e: {  	_ =	shalt  }
0x6f: {  	_ =	shalt  }
0x70: {  	_ =	shalt  }
0x71: {  	_ =	shalt  }
0x72: {  	_ =	shalt  }
0x73: {  	_ =	shalt  }
0x74: {  	_ =	shalt  }
0x75: {  	_ =	shalt  }
0x76: {  	_ =	shalt  }
0x77: {  	_ =	shalt  }
0x78: {  	_ =	shalt  }
0x79: {  	_ =	shalt  }
0x7a: {  	_ =	shalt  }
0x7b: {  	_ =	shalt  }
0x7c: {  	_ =	shalt  }
0x7d: {  	_ =	shalt  }
0x7e: {  	_ =	shalt  }
0x7f: {  	_ =	shalt  }
0x80: {  	_ =	shalt  }
0x81: {  	_ =	shalt  }
0x82: {  	_ =	shalt  }
0x83: {  	_ =	shalt  }
0x84: {  	_ =	shalt  }
0x85: {  	_ =	shalt  }
0x86: {  	_ =	shalt  }
0x87: {  	_ =	shalt  }
.Lfunc_end0:
.L_simem_size_0:
called_computation_lowered:
.L_overlay_start_0:
0x88: {  	s2 =	sld [smem:$0x3FD9]  }
0x89: {  	s3 =	sld [smem:$0x3FFE];
	_ =	sdelay $0x1  }
0x8a: {  	s1 =	srdreg.scid  }
0x8b: {  	s0 =	sand.u32 $0x1, s1  }
0x8c: {  	s18 =	sshll.u32 s0, $0xA;
	s2 =	sadd.s32 s3, s2  }
0x8d: {  	s2 =	sadd.s32 s2, s18  }
0x8e: {  	[smem:$0x3FC6] =	sst s2  }
0x8f: {  	_ = 	snop  }
0x90: {  	s2 =	sld [smem:$0x3FC9]  }
0x91: {  	s19 =	sld [smem:$0x3FC8]  }
0x92: {  	s4 =	sld [smem:$0x3FD0];
	(tm) =	ssettm $0x1  }
0x93: {  	s5 =	sld [smem:$0x3FFB];
	_ =	sdelay $0x3  }
0x94: {  	_ =	strace s5  }
0x95: {  	s5 =	sld [smem:$0x3FFC];
	_ =	sdelay $0x3  }
0x96: {  	_ =	strace s5  }
0x97: {  	s5 =	sld [smem:$0x3FFD];
	_ =	sdelay $0x3  }
0x98: {  	_ =	strace s5  }
0x99: {  	_ =	strace $0x8FFFFFFF  }
0x9a: {  	s20 =	sld [smem:$0x3FDB];
	_ =	sdelay $0x1  }
0x9b: {  	s6 =	simm.s32 $_scs_section_size  }
0x9c: {  	s7 =	simm.s32 $_size__tile_overlayer_lowered;
	s8 =	simm.s32 $_tile_overlayer_lowered  }
0x9d: {  	s23 =	simm.s32 $0x1BFF;
	s22 =	sshll.u32 s8, $0x1;
	s5 =	sadd.s32 s6, s20  }
0x9e: {  	s9 =	simm.s32 $0x0;
	s21 =	sshll.u32 s7, $0x1;
	s7 =	sadd.s32 s22, s5  }
0x9f: {  	[timem:s9], [sflag:s23] =	dma.local [hbm:s7], s21  }
0xa0: {  	_ =	swait.ge [sflag:s23], s21  }
0xa1: {  	s6 =	ssub.s32 $0x0, s21;
	[sflag:s23] =	ssyncset.done $0x0  }
0xa2: {  	[sflag:s23] =	ssyncadd.s32 s6;
	_ =	sdelay $0x1  }
0xa3: {  	s24 =	simm.s32 $0x1B8B  }
0xa4: {  	_ =	swait.ge [sflag:s24], $0x1  }
0xa5: {  	[sflag:s24] =	ssyncset.done $0x0  }
0xa6: {  	s25 =	simm.s32 $0x1B8E;
	[sflag:s24] =	ssyncadd.s32 $0xFFFFFFFF  }
0xa7: {  	s26 =	simm.s32 $execute0_lowered;
	[smem:$0x3FD2] =	sst s25  }
0xa8: {  	s6 =	sshll.u32 s26, $0x1;
	_ =	strace $0x80000046;
	[dreg:$0x1] =	wrdreg $0xFFFFFFFF  }
0xa9: {  	s28 =	simm.s32 $_size_execute0_lowered;
	s5 =	sadd.s32 s5, s6;
	[dreg:$0x0] =	wrdreg $0x0  }
0xaa: {  	s6 =	sshll.u32 s28, $0x1;
	[dreg:$0x2] =	wrdreg s5  }
0xab: {  	[dreg:$0x3] =	wrdreg s6  }
0xac: {  	[dreg:$0x4] =	wrdreg $0xC0  }
0xad: {  	_ =	task [dreg:s9], $0x5FFFF  }
0xae: {  	[dreg:$0x1] =	wrdreg $0xFFFFFFFF  }
0xaf: {  	[dreg:$0x0] =	wrdreg $0x60  }
0xb0: {  	[dreg:$0x2] =	wrdreg s2  }
0xb1: {  	[dreg:$0x3] =	wrdreg s19  }
0xb2: {  	[dreg:$0x4] =	wrdreg s4  }
0xb3: {  	[dreg:$0x5] =	wrdreg $0x9  }
0xb4: {  	_ =	task.clear_ibuf [dreg:s9], $0x6FFFF;
	_ =	strace $0x90000046  }
0xb5: {  	s29 =	simm.s32 $0x9;
	_ =	strace $0x80000048  }
0xb6: {  	_ =	swait.ge [sflag:s29], $0x1  }
0xb7: {  	[sflag:s29] =	ssyncadd.s32 $0xFFFFFFFF  }
0xb8: {  	_ =	strace $0x90000048  }
0xb9: {  	_ =	sfence  }
0xba: {  	s30 =	sld [smem:$0x0];
	_ =	sdelay $0x2  }
0xbb: {  	s31 =	sshll.u32 s1, $0xD;
	s1 =	sshrl.u32 s1, $0x2  }
0xbc: {  	s3 =	sand.u32 $0x4000, s31;
	s1 =	sadd.s32 s1, s30  }
0xbd: {  	s0 =	sor.u32 s3, s0;
	s1 =	sshll.u32 s1, $0x11  }
0xbe: {  	s0 =	sor.u32 s1, s0  }
0xbf: {  	s0 =	sadd.s32 $0x8F2B, s0  }
0xc0: {  	[sflag:s0] =	ssyncadd.remote.s32 $0x1  }
0xc1: {  	_ =	sfence.sel $0xFFFF  }
0xc2: {  	[dreg:$0x0] =	wrdreg $0xFFFFFFFF;
	(pc) =	sbr.abs _section_cstart, $3  }
0xc3: {  	[dreg:$0x1] =	wrdreg $0xFFFFFFFF  }
0xc4: {  	_ =	task.clear_ibuf [dreg:s9], $0x2FFFF;
	_ =	strace $0x9FFFFFFF  }
0xc5: {  	(tm) =	ssettm $0x7FFFFFFF  }
tec
execute0_lowered:
.L_overlay_start_1:
0x0: {  	(tag) =	ssettag $0x1  }
0x1: {  	s3 =	rddreg [dreg:$0x0]  }
0x2: {  	s4 =	rddreg [dreg:$0x1]  }
0x3: {  	s7 =	rddreg [dreg:$0x2]  }
0x4: {  	s0 =	rddreg [dreg:$0x3];
	s5 =	srdreg.scid  }
0x5: {  	s2 =	simm.s32 $0x0;
	s1 =	stileid.u32;
	s10 =	simm.s32 $0xC000  }
0x6: {  	s11 =	simm.s32 $0x10000;
	s12 =	simm.s32 $0x7;
	s13 =	simm.s32 $0x8  }
0x7: {  	s14 =	simm.s32 $0x6;
	s15 =	simm.s32 $0x0;
	s5 =	sand.u32 $0x1, s5  }
0x8: {  	[smem:$0x7FF] =	sst s2;
	s6 =	sshll.u32 s1, $0x10;
	s8 =	sshll.u32 s5, $0xF  }
0x9: {  	_ =	strace $0x80000047;
	s5 =	ssub.s32 $0x2, s5;
	s8 =	sor.u32 s8, s6  }
0xa: {  	s31 =	sshrl.u32 s5, $0x1;
	s3 =	sadd.s32 s3, s8;
	s4 =	sadd.s32 s4, s8  }
0xb: {  	s9 =	ssub.s32 s5, s31;
	s7 =	sadd.s32 s7, s8;
	s5 =	sadd.s32 $0x100000, s3  }
0xc: {  	s6 =	sadd.s32 $0x800, s4;
	s8 =	smax.u32 s9, $0x1;
	s9 =	simm.s32 $0x4000  }
.LBB2_1:
0xd: {  	[tilespmem:s2], [sflag:$0x1] =	stream.linear.gather [hbm4b:s3+s2], $0x4000, $0x38;
	[tilespmem:$0x14000] =	vst v63  }
0xe: {  	_ = 	snop  }
0xf: {  	[tilespmem:s9], [sflag:$0x2] =	stream.linear.gather [hbm4b:s5+s2], $0x4000, $0x38;
	[tilespmem:$0x14000] =	vst v63  }
0x10: {  	_ = 	snop  }
0x11: {  	[tilespmem:s10], [sflag:$0x4] =	stream.linear.gather [hbm4b:s4+s2], $0x4000, $0x38;
	[tilespmem:$0x14000] =	vst v63  }
0x12: {  	s16 =	simm.s32 $0x0  }
0x13: {  	[tilespmem:s11], [sflag:$0x5] =	stream.linear.gather [hbm4b:s6+s2], $0x4000, $0x38;
	[tilespmem:$0x14000] =	vst v63  }
.LBB2_2:
0x14: {  	s19 =	smul.u32 $0xAB, s16;
	s18 =	sand.u32 $0x3, s16  }
0x15: {  	s17 =	sshrl.u32 s16, $0x2;
	p0 =	sne.s32 s18, $0x0  }
0x16: {  	s19 =	sshrl.u32 s19, $0x9;
	s20 =	sadd.s32 @!p0 $0xFFFFFFFF, s17  }
0x17: {  	s21 =	sand.u32 $0x1, s17;
	s19 =	sand.u32 $0x7F, s19;
	p1 =	sgt.u32 @!p0 s20, $0xD  }
0x18: {  	s20 =	sor.u32 @!p0 $0x4, s21;
	s19 =	smul.u32 $0x3, s19;
	p1 =	por p1, p0  }
0x19: {  	s21 =	sshll.u32 s21, $0xE;
	_ =	swait.ge @!p0 [sflag:s20], $0x4000;
	s22 =	sadd.s32 @!p1 $0x1, s17  }
0x1a: {  	[sflag:s20] =	ssyncset.done @!p0 $0x0;
	s19 =	ssub.s32 s16, s19;
	s23 =	sand.u32 @!p1 $0x1, s22  }
0x1b: {  	[sflag:s20] =	ssyncadd.s32 @!p0 $0xFFFFC000;
	s20 =	sshll.u32 @!p1 s22, $0xB;
	s19 =	sand.u32 $0xFF, s19  }
0x1c: {  	s24 =	sshll.u32 @!p1 s23, $0xE;
	s23 =	sor.u32 @!p1 $0x4, s23;
	s20 =	sadd.s32 @!p1 s20, s4  }
0x1d: {  	s22 =	sadd.s32 @!p1 $0xC000, s24;
	s24 =	simm.s32 @!p1 $0x0;
	s25 =	sadd.s32 $0x1, s19  }
0x1e: {  	[tilespmem:s22], [sflag:s23] =	stream.linear.gather @!p1 [hbm4b:s20+s24], $0x4000, $0x38;
	[tilespmem:$0x14000] =	vst v63  }
0x1f: {  	s20 =	sshll.u32 s19, $0xE;
	s22 =	simm.s32 $0x0;
	s23 =	simm.s32 $0x0  }
0x20: {  	s24 =	sadd.s32 $0xC000, s21;
	_ =	swait.ge [sflag:s25], $0x4000;
	s26 =	sand.u32 $0x2000, s22  }
0x21: {  	s28 =	sand.u32 $0x1C00, s23;
	s29 =	sand.u32 $0x380, s23;
	s30 =	sadd.s32 s26, s20  }
0x22: {  	[sflag:s25] =	ssyncset.done $0x0;
	s26 =	sadd.s32 s26, s24;
	s21 =	sadd.s32 s28, s30  }
0x23: {  	[sflag:s25] =	ssyncadd.s32 $0xFFFFC000;
	s31 =	sadd.s32 s28, s26;
	s21 =	sadd.s32 s29, s21  }
0x24: {  	s25 =	sadd.s32 s29, s31;
	v0 =	vld [tilespmem:s21+$0x70]  }
0x25: {  	v1 =	vld [tilespmem:s25+$0x70]  }
0x26: {  	v3 =	vld [tilespmem:s21+$0x0]  }
0x27: {  	v5 =	vld [tilespmem:s25+$0x0]  }
0x28: {  	v6 =	vld [tilespmem:s21+$0x10]  }
0x29: {  	v7 =	vld [tilespmem:s25+$0x10]  }
0x2a: {  	v2 =	vld [tilespmem:s21+$0x20]  }
0x2b: {  	v4 =	vld [tilespmem:s25+$0x20];
	v0 =	vadd.f32 v1, v0  }
0x2c: {  	v5 =	vadd.f32 v5, v3;
	v1 =	vld [tilespmem:s21+$0x30]  }
0x2d: {  	v3 =	vld [tilespmem:s25+$0x30];
	[tilespmem:s21+$0x70] =	vst v0  }
0x2e: {  	s26 =	simm.s32 $0x0;
	[tilespmem:s21+$0x0] =	vst v5;
	v5 =	vadd.f32 v7, v6;
	v0 =	vld [tilespmem:s21+$0x40]  }
.LBB2_3:
0x2f: {  	s22 =	sadd.s32 $0x80, s22;
	v6 =	vld [tilespmem:s25+$0x40]  }
0x30: {  	s23 =	sadd.s32 $0x400, s23;
	s28 =	sand.u32 $0x2000, s22;
	p0 =	slt.u32 s22, $0x3F80;
	[tilespmem:s21+$0x10] =	vst v5;
	v2 =	vadd.f32 v4, v2;
	v4 =	vld [tilespmem:s21+$0x50]  }
0x31: {  	s26 =	sadd.s32 $0x10, s26;
	s29 =	sand.u32 $0x1C00, s23;
	s30 =	sadd.s32 s28, s20;
	v5 =	vld [tilespmem:s25+$0x50]  }
0x32: {  	s31 =	sand.u32 $0x380, s26;
	s28 =	sadd.s32 s28, s24;
	s30 =	sadd.s32 s29, s30;
	[tilespmem:s21+$0x20] =	vst v2;
	v1 =	vadd.f32 v3, v1;
	v2 =	vld [tilespmem:s21+$0x60]  }
0x33: {  	s28 =	sadd.s32 s29, s28;
	s30 =	sadd.s32 s31, s30;
	v3 =	vld [tilespmem:s25+$0x60]  }
0x34: {  	s25 =	sadd.s32 s31, s28;
	v7 =	vld [tilespmem:s30+$0x70];
	[tilespmem:s21+$0x30] =	vst v1;
	v0 =	vadd.f32 v6, v0  }
0x35: {  	v1 =	vld [tilespmem:s25+$0x70]  }
0x36: {  	v6 =	vld [tilespmem:s30+$0x0];
	[tilespmem:s21+$0x40] =	vst v0;
	v0 =	vadd.f32 v5, v4  }
0x37: {  	v5 =	vld [tilespmem:s25+$0x0]  }
0x38: {  	v8 =	vld [tilespmem:s30+$0x10];
	[tilespmem:s21+$0x50] =	vst v0;
	v0 =	vadd.f32 v3, v2  }
0x39: {  	v9 =	vld [tilespmem:s25+$0x10]  }
.Ltmp0:
0x3a: {  	v2 =	vld [tilespmem:s30+$0x20];
	v3 =	vadd.f32 v1, v7;
	[tilespmem:s21+$0x60] =	vst v0;
	s21 =	smov.u32 s30;
	(pc) =	sbr.rel @p0 .LBB2_3-.Ltmp0, $4  }
0x3b: {  	v4 =	vld [tilespmem:s25+$0x20]  }
0x3c: {  	v0 =	vadd.f32 v5, v6;
	v1 =	vld [tilespmem:s21+$0x30];
	[tilespmem:s21+$0x70] =	vst v3  }
0x3d: {  	v3 =	vld [tilespmem:s25+$0x30]  }
0x3e: {  	[tilespmem:s21+$0x0] =	vst v0;
	v5 =	vadd.f32 v9, v8;
	v0 =	vld [tilespmem:s21+$0x40]  }
0x3f: {  	v6 =	vld [tilespmem:s25+$0x40]  }
0x40: {  	v7 =	vld [tilespmem:s21+$0x50]  }
0x41: {  	v8 =	vld [tilespmem:s25+$0x50]  }
0x42: {  	v9 =	vld [tilespmem:s21+$0x60]  }
0x43: {  	v10 =	vld [tilespmem:s25+$0x60];
	p0 =	sgt.u32 s16, $0x3D  }
0x44: {  	v2 =	vadd.f32 v4, v2;
	p1 =	seq.s32 @!p0 s16, $0x0  }
0x45: {  	s22 =	sadd.s32 $0x2, s16;
	[tilespmem:s21+$0x10] =	vst v5;
	p2 =	por p1, p0;
	v1 =	vadd.f32 v3, v1  }
0x46: {  	[tilespmem:s21+$0x20] =	vst v2;
	s23 =	smul.u32 @!p2 $0xAB, s22;
	v0 =	vadd.f32 v6, v0  }
0x47: {  	[tilespmem:s21+$0x30] =	vst v1;
	v62 =	vadd.f32 v8, v7  }
0x48: {  	s18 =	sshll.u32 s18, $0x14;
	v63 =	vadd.f32 v10, v9;
	s23 =	sshrl.u32 @!p2 s23, $0x9;
	[tilespmem:s21+$0x40] =	vst v0  }
0x49: {  	s17 =	sshll.u32 s17, $0xB;
	s18 =	sadd.s32 s18, s7;
	s23 =	sand.u32 @!p2 $0x7F, s23;
	[tilespmem:s21+$0x50] =	vst v62  }
0x4a: {  	s19 =	sadd.s32 $0x6, s19;
	s17 =	sadd.s32 s17, s18;
	[tilespmem:s21+$0x60] =	vst v63;
	s18 =	smul.u32 @!p2 $0x3, s23  }
0x4b: {  	[hbm4b:s17+s2] =	stream.linear.scatter [tilespmem:s20], [sflag:s19], $0x4000, $0x38;
	[tilespmem:$0x14000] =	vst v63  }
0x4c: {  	s17 =	ssub.s32 @!p2 s22, s18  }
0x4d: {  	s17 =	sand.u32 @!p2 $0xFF, s17  }
0x4e: {  	s18 =	sadd.s32 @!p2 $0x6, s17  }
0x4f: {  	_ =	swait.ge @!p2 [sflag:s18], $0x4000  }
0x50: {  	s16 =	sadd.s32 $0x1, s16;
	[sflag:s18] =	ssyncset.done @!p2 $0x0  }
0x51: {  	p1 =	por !p1, p0;
	[sflag:s18] =	ssyncadd.s32 @!p2 $0xFFFFC000;
	s18 =	sshll.u32 @!p0 s22, $0x9  }
0x52: {  	s19 =	sshll.u32 @!p0 s22, $0x14;
	s17 =	simm.s32 @!p1 $0x2;
	s18 =	sand.u32 @!p0 $0xF800, s18  }
0x53: {  	s19 =	sand.u32 @!p0 $0x300000, s19;
	s20 =	sshll.u32 @!p0 s17, $0xE;
	s18 =	sadd.s32 @!p0 s18, s3  }
0x54: {  	s17 =	sadd.s32 @!p0 $0x1, s17;
	s18 =	sadd.s32 @!p0 s19, s18;
	s19 =	simm.s32 @!p0 $0x0  }
0x55: {  	[tilespmem:s20], [sflag:s17] =	stream.linear.gather @!p0 [hbm4b:s18+s19], $0x4000, $0x38;
	[tilespmem:$0x14000] =	vst v63  }
0x56: {  	p0 =	sne.s32 s16, $0x40  }
.Ltmp1:
0x57: {  	_ = 	snop;
	(pc) =	sbr.rel @p0 .LBB2_2-.Ltmp1, $1  }
0x58: {  	_ =	sdelay $0x3  }
0x59: {  	_ =	swait.ge [sflag:s12], $0x4000  }
0x5a: {  	[sflag:s12] =	ssyncset.done $0x0  }
0x5b: {  	s15 =	sadd.s32 $0x1, s15;
	[sflag:s12] =	ssyncadd.s32 $0xFFFFC000  }
0x5c: {  	p0 =	sne.s32 s15, s8;
	_ =	swait.ge [sflag:s13], $0x4000  }
.Ltmp2:
0x5d: {  	[sflag:s13] =	ssyncset.done $0x0;
	(pc) =	sbr.rel @p0 .LBB2_1-.Ltmp2, $4  }
0x5e: {  	[sflag:s13] =	ssyncadd.s32 $0xFFFFC000  }
0x5f: {  	_ =	swait.ge [sflag:s14], $0x4000  }
0x60: {  	[sflag:s14] =	ssyncset.done $0x0  }
0x61: {  	[sflag:s14] =	ssyncadd.s32 $0xFFFFC000  }
0x62: {  	_ =	sfence.sel $0x180000  }
0x63: {  	[bflag:$0x0] =	sbarrier.arrive $0xFFFF  }
0x64: {  	p0 =	sne.s32 s1, $0x0;
	_ =	strace $0x90000047  }
0x65: {  	s0 =	sadd.s32 @!p0 $0x100000, s0;
	[bflag:$0x2] =	sbarrier.arrive $0xFFFF  }
0x66: {  	[sflag:s0] =	ssyncadd.tile.s32 @!p0 $0x1;
	_ =	shalt  }
.Lfunc_end2:
_tile_overlayer_lowered:
.L_overlay_start_2:
0x67: {  	(tag) =	ssettag $0x2  }
0x68: {  	s0 =	rddreg [dreg:$0x0];
	s2 =	stileid.u32  }
0x69: {  	s1 =	rddreg [dreg:$0x1];
	p0 =	sne.s32 s2, $0x0  }
0x6a: {  	s3 =	rddreg [dreg:$0x2];
	[bflag:$0x3] =	sbarrier.arrive $0xFFFF;
	s2 =	simm.s32 @!p0 $0x1C09  }
0x6b: {  	[timem:s3], [sflag:s2] =	dma.local @!p0 [hbm:s0], s1  }
0x6c: {  	s0 =	simm.s32 @!p0 $0x9  }
0x6d: {  	_ =	swait.ge @!p0 [sflag:s0], s1  }
0x6e: {  	s1 =	ssub.s32 @!p0 $0x0, s1;
	[sflag:s0] =	ssyncset.done @!p0 $0x0  }
0x6f: {  	[sflag:s0] =	ssyncadd.s32 @!p0 s1  }
0x70: {  	[bflag:$0x3] =	sbarrier.arrive $0xFFFF  }
0x71: {  	_ =	shalt  }

</sc_bundles>
